<compile_context>
chip_gen: v7x
topology: tpu7x:2x2x1
jax: 0.10.2.dev20260603
libtpu: 0.0.44.dev20260713+nightly
codegen_flags: <defaults>
</compile_context>

<pallas_src>
import jax
import jax.numpy as jnp
from jax import lax
from jax.experimental import pallas as pl
from jax.experimental.pallas import tpu as pltpu
from jax.experimental.pallas import tpu_sc as plsc

B = 16384
NC = 2
NS = 16
NW = NC * NS
PER_W = B // NW
L = 16

_LN2 = 0.6931471805599453
_SQRT2 = 1.4142135623730951

_C0 = 2.9963522891704698e-05
_C1 = 0.9995259490691817
_C2 = -0.5032600582493715
_C3 = 0.3549978327556725
_C4 = -0.21945141144826774


def _log_vec(v):
    iv = lax.bitcast_convert_type(v, jnp.int32)
    e = lax.shift_right_arithmetic(iv, 23) - 127
    m = lax.bitcast_convert_type((iv & 0x007FFFFF) | 0x3F800000, jnp.float32)
    big = m > _SQRT2
    m = jnp.where(big, m * 0.5, m)
    ef = (e + jnp.where(big, 1, 0)).astype(jnp.float32)
    t = m - 1.0
    p = _C4
    for c in (_C3, _C2, _C1, _C0):
        p = p * t + c
    return ef * _LN2 + p


def _body(b_hbm, p_hbm, out_hbm, idx_v, vals_v, sem0):
    wid = lax.axis_index("s") * NC + lax.axis_index("c")
    base = wid * PER_W
    pltpu.sync_copy(b_hbm.at[pl.ds(base, PER_W)], idx_v)
    pltpu.async_copy(p_hbm.at[idx_v], vals_v, sem0).wait()

    def step(i, carry):
        sl = pl.ds(i * L, L)
        vals_v[sl] = _log_vec(vals_v[sl])
        return carry

    lax.fori_loop(0, PER_W // L, step, 0, unroll=4)
    pltpu.sync_copy(vals_v, out_hbm.at[pl.ds(base, PER_W)])


def kernel(b, probabilities):
    f = pl.kernel(
        _body,
        out_type=jax.ShapeDtypeStruct((B,), jnp.float32),
        mesh=plsc.VectorSubcoreMesh(core_axis_name="c", subcore_axis_name="s"),
        scratch_types=[
            pltpu.VMEM((PER_W,), jnp.int32),
            pltpu.VMEM((PER_W,), jnp.float32),
            pltpu.SemaphoreType.DMA,
        ],
    )
    return f(b.astype(jnp.int32), probabilities)

# --- scband reference (transcript-rebuilt; emitter-appended) ---
"""Pipeline reference for scband-batch-prior-61692910239826 (READ-ONLY COPY).

The authoritative reference and input builder live on the scoring server;
editing this copy changes nothing except your own understanding.
"""

import jax, jax.numpy as jnp
import numpy as np

N_BATCHES = 100000
BATCH = 16384

def setup_inputs(seed: int = 0) -> dict:
    key = jax.random.key(seed)
    k1, _ = jax.random.split(key)
    b = jax.random.randint(k1, (BATCH,), 0, N_BATCHES, dtype=jnp.int64 if jax.config.jax_enable_x64 else jnp.int32)
    # Uniform prior probabilities buffer, as in __init__ when probabilities is None
    probabilities = jnp.ones((N_BATCHES,), dtype=jnp.float32) / N_BATCHES
    return {"b": b, "probabilities": probabilities}

def reference(b, probabilities):
    # log p(b) = log(probabilities[b])
    return jnp.log(jnp.take(probabilities, b, axis=0))

if __name__ == "__main__":
    import jax
    _d = setup_inputs()
    print(jax.jit(kernel)(*tuple(_d.values())))

</pallas_src>

<mosaic_0001>
#map = affine_map<(d0, d1) -> (0)>
module attributes {stable_mosaic.version = 14 : i64} {
  func.func @_body(%arg0: i32, %arg1: i32, %arg2: memref<16384xi32, #tpu.memory_space<hbm>>, %arg3: memref<100000xf32, #tpu.memory_space<hbm>>, %arg4: memref<16384xf32, #tpu.memory_space<hbm>>, %arg5: memref<512xi32, #tpu.memory_space<vmem>>, %arg6: memref<512xf32, #tpu.memory_space<vmem>>, %arg7: memref<!tpu.dma_semaphore, #tpu.memory_space<semaphore_mem>>) attributes {dimension_semantics = [#tpu.dimension_semantics<core_parallel>, #tpu.dimension_semantics<subcore_parallel>], iteration_bounds = array<i64: 2, 16>, scalar_prefetch = 0 : i64, scratch_operands = 3 : i64, tpu.core_type = #tpu.core_type<sc_vector_subcore>, window_params = [{transform_indices = #map}, {transform_indices = #map}, {transform_indices = #map}]} {
    %mul3A = arith.constant 2 : i32
    %mul3A_0 = arith.muli %arg1, %mul3A : i32
    %add3A = arith.addi %mul3A_0, %arg0 : i32
    %mul3A_1 = arith.constant 512 : i32
    %mul3A_2 = arith.muli %add3A, %mul3A_1 : i32
    "tpu.region"() ({
      %run_scoped3A = tpu.sem_alloc : memref<!tpu.dma_semaphore, #tpu.memory_space<semaphore_mem>>
      %dma_start3A_10 = tpu.memref_slice %arg2[%mul3A_2] : memref<16384xi32, #tpu.memory_space<hbm>> -> memref<512xi32, #tpu.memory_space<hbm>>
      %dma_start3A_11 = tpu.memref_slice %arg2[%mul3A_2] : memref<16384xi32, #tpu.memory_space<hbm>> -> memref<512xi32, #tpu.memory_space<hbm>>
      tpu.enqueue_dma source(%dma_start3A_11 : memref<512xi32, #tpu.memory_space<hbm>>) target(%arg5 : memref<512xi32, #tpu.memory_space<vmem>>) target_semaphore(%run_scoped3A : memref<!tpu.dma_semaphore, #tpu.memory_space<semaphore_mem>>)
      %dma_wait3A_12 = tpu.memref_slice %arg2[%mul3A_2] : memref<16384xi32, #tpu.memory_space<hbm>> -> memref<512xi32, #tpu.memory_space<hbm>>
      %dma_wait3A_13 = tpu.memref_slice %arg2[%mul3A_2] : memref<16384xi32, #tpu.memory_space<hbm>> -> memref<512xi32, #tpu.memory_space<hbm>>
      tpu.wait_dma2 semaphore(%run_scoped3A : memref<!tpu.dma_semaphore, #tpu.memory_space<semaphore_mem>>) src(%dma_wait3A_13 : memref<512xi32, #tpu.memory_space<hbm>>) dst(%arg5 : memref<512xi32, #tpu.memory_space<vmem>>)
      tpu.yield
    }) : () -> ()
    %dma_start3A = arith.constant 0 : i32
    %dma_start3A_3 = tpu.memref_slice %arg3[%dma_start3A] : memref<100000xf32, #tpu.memory_space<hbm>> -> memref<100000xf32, #tpu.memory_space<hbm>>
    tpu.enqueue_indirect_dma source(%dma_start3A_3 : memref<100000xf32, #tpu.memory_space<hbm>>) target(%arg6 : memref<512xf32, #tpu.memory_space<vmem>>) offsets(%arg5 : memref<512xi32, #tpu.memory_space<vmem>>) semaphore(%arg7 : memref<!tpu.dma_semaphore, #tpu.memory_space<semaphore_mem>>)
    %dma_wait3A = arith.constant 0 : i32
    %dma_wait3A_4 = tpu.memref_slice %arg3[%dma_wait3A] : memref<100000xf32, #tpu.memory_space<hbm>> -> memref<100000xf32, #tpu.memory_space<hbm>>
    tpu.wait_indirect_dma semaphore(%arg7 : memref<!tpu.dma_semaphore, #tpu.memory_space<semaphore_mem>>) src(%dma_wait3A_4 : memref<100000xf32, #tpu.memory_space<hbm>>) dst(%arg6 : memref<512xf32, #tpu.memory_space<vmem>>)
    %scan3A = arith.constant 0 : i32
    %scan3A_5 = arith.constant 0 : i32
    %scan3A_6 = arith.constant 32 : i32
    %scan3A_7 = arith.addi %scan3A_5, %scan3A_6 : i32
    %scan3A_8 = arith.constant 4 : i32
    scf.for %scan3A_10 = %scan3A_5 to %scan3A_7 step %scan3A_8  : i32 {
      %mul3A_11 = arith.constant 16 : i32
      %mul3A_12 = arith.muli %scan3A_10, %mul3A_11 : i32
      %get3A = arith.index_cast %mul3A_12 : i32 to index
      %get3A_13 = tpu.vector_load %arg6[%get3A] {strides = array<i32>} : memref<512xf32, #tpu.memory_space<vmem>>, vector<16xf32>,
      %get3A_14 = vector.shape_cast %get3A_13 : vector<16xf32> to vector<16xf32>
      %bitcast_convert_type3A = tpu.bitcast %get3A_14 : vector<16xf32> -> vector<16xi32>
      %shift_right_arithmetic3A = arith.constant 23 : i32
      %shift_right_arithmetic3A_15 = vector.broadcast %shift_right_arithmetic3A : i32 to vector<16xi32>
      %shift_right_arithmetic3A_16 = arith.shrsi %bitcast_convert_type3A, %shift_right_arithmetic3A_15 : vector<16xi32>
      %sub3A = arith.constant 127 : i32
      %sub3A_17 = vector.broadcast %sub3A : i32 to vector<16xi32>
      %sub3A_18 = arith.subi %shift_right_arithmetic3A_16, %sub3A_17 : vector<16xi32>
      %and3A = arith.constant 8388607 : i32
      %and3A_19 = vector.broadcast %and3A : i32 to vector<16xi32>
      %and3A_20 = arith.andi %bitcast_convert_type3A, %and3A_19 : vector<16xi32>
      %or3A = arith.constant 1065353216 : i32
      %or3A_21 = vector.broadcast %or3A : i32 to vector<16xi32>
      %or3A_22 = arith.ori %and3A_20, %or3A_21 : vector<16xi32>
      %bitcast_convert_type3A_23 = tpu.bitcast %or3A_22 : vector<16xi32> -> vector<16xf32>
      %gt3A = arith.constant 1.41421354 : f32
      %gt3A_24 = vector.broadcast %gt3A : f32 to vector<16xf32>
      %gt3A_25 = arith.cmpf ogt, %bitcast_convert_type3A_23, %gt3A_24 : vector<16xf32>
      %mul3A_26 = arith.constant 5.000000e-01 : f32
      %mul3A_27 = vector.broadcast %mul3A_26 : f32 to vector<16xf32>
      %mul3A_28 = arith.mulf %bitcast_convert_type3A_23, %mul3A_27 : vector<16xf32>
      %select_n3A = arith.select %gt3A_25, %mul3A_28, %bitcast_convert_type3A_23 : vector<16xi1>, vector<16xf32>
      %jit3A = arith.constant 1 : i32
      %jit3A_29 = arith.constant 0 : i32
      %broadcast_in_dim3A = vector.broadcast %jit3A : i32 to vector<16xi32>
      %broadcast_in_dim3A_30 = vector.broadcast %jit3A_29 : i32 to vector<16xi32>
      %select_n3A_31 = arith.select %gt3A_25, %broadcast_in_dim3A, %broadcast_in_dim3A_30 : vector<16xi1>, vector<16xi32>
      %add3A_32 = arith.addi %sub3A_18, %select_n3A_31 : vector<16xi32>
      %convert_element_type3A = arith.sitofp %add3A_32 : vector<16xi32> to vector<16xf32>
      %sub3A_33 = arith.constant 1.000000e+00 : f32
      %sub3A_34 = vector.broadcast %sub3A_33 : f32 to vector<16xf32>
      %sub3A_35 = arith.subf %select_n3A, %sub3A_34 : vector<16xf32>
      %mul3A_36 = arith.constant -0.219451413 : f32
      %mul3A_37 = vector.broadcast %mul3A_36 : f32 to vector<16xf32>
      %mul3A_38 = arith.mulf %mul3A_37, %sub3A_35 : vector<16xf32>
      %add3A_39 = arith.constant 0.354997844 : f32
      %add3A_40 = vector.broadcast %add3A_39 : f32 to vector<16xf32>
      %add3A_41 = arith.addf %mul3A_38, %add3A_40 : vector<16xf32>
      %mul3A_42 = arith.mulf %add3A_41, %sub3A_35 : vector<16xf32>
      %add3A_43 = arith.constant -0.503260076 : f32
      %add3A_44 = vector.broadcast %add3A_43 : f32 to vector<16xf32>
      %add3A_45 = arith.addf %mul3A_42, %add3A_44 : vector<16xf32>
      %mul3A_46 = arith.mulf %add3A_45, %sub3A_35 : vector<16xf32>
      %add3A_47 = arith.constant 0.999525964 : f32
      %add3A_48 = vector.broadcast %add3A_47 : f32 to vector<16xf32>
      %add3A_49 = arith.addf %mul3A_46, %add3A_48 : vector<16xf32>
      %mul3A_50 = arith.mulf %add3A_49, %sub3A_35 : vector<16xf32>
      %add3A_51 = arith.constant 2.9963523E-5 : f32
      %add3A_52 = vector.broadcast %add3A_51 : f32 to vector<16xf32>
      %add3A_53 = arith.addf %mul3A_50, %add3A_52 : vector<16xf32>
      %mul3A_54 = arith.constant 0.693147182 : f32
      %mul3A_55 = vector.broadcast %mul3A_54 : f32 to vector<16xf32>
      %mul3A_56 = arith.mulf %convert_element_type3A, %mul3A_55 : vector<16xf32>
      %add3A_57 = arith.addf %mul3A_56, %add3A_53 : vector<16xf32>
      %swap3A = arith.index_cast %mul3A_12 : i32 to index
      %swap3A_58 = tpu.vector_load %arg6[%swap3A] {strides = array<i32>} : memref<512xf32, #tpu.memory_space<vmem>>, vector<16xf32>,
      %swap3A_59 = vector.shape_cast %swap3A_58 : vector<16xf32> to vector<16xf32>
      %swap3A_60 = vector.shape_cast %add3A_57 : vector<16xf32> to vector<16xf32>
      tpu.vector_store %arg6[%swap3A], %swap3A_60 {strides = array<i32>} : memref<512xf32, #tpu.memory_space<vmem>>, vector<16xf32>,
      %scan3A_61 = arith.constant 1 : i32
      %scan3A_62 = arith.addi %scan3A_10, %scan3A_61 : i32
      %mul3A_63 = arith.constant 16 : i32
      %mul3A_64 = arith.muli %scan3A_62, %mul3A_63 : i32
      %get3A_65 = arith.index_cast %mul3A_64 : i32 to index
      %get3A_66 = tpu.vector_load %arg6[%get3A_65] {strides = array<i32>} : memref<512xf32, #tpu.memory_space<vmem>>, vector<16xf32>,
      %get3A_67 = vector.shape_cast %get3A_66 : vector<16xf32> to vector<16xf32>
      %bitcast_convert_type3A_68 = tpu.bitcast %get3A_67 : vector<16xf32> -> vector<16xi32>
      %shift_right_arithmetic3A_69 = arith.constant 23 : i32
      %shift_right_arithmetic3A_70 = vector.broadcast %shift_right_arithmetic3A_69 : i32 to vector<16xi32>
      %shift_right_arithmetic3A_71 = arith.shrsi %bitcast_convert_type3A_68, %shift_right_arithmetic3A_70 : vector<16xi32>
      %sub3A_72 = arith.constant 127 : i32
      %sub3A_73 = vector.broadcast %sub3A_72 : i32 to vector<16xi32>
      %sub3A_74 = arith.subi %shift_right_arithmetic3A_71, %sub3A_73 : vector<16xi32>
      %and3A_75 = arith.constant 8388607 : i32
      %and3A_76 = vector.broadcast %and3A_75 : i32 to vector<16xi32>
      %and3A_77 = arith.andi %bitcast_convert_type3A_68, %and3A_76 : vector<16xi32>
      %or3A_78 = arith.constant 1065353216 : i32
      %or3A_79 = vector.broadcast %or3A_78 : i32 to vector<16xi32>
      %or3A_80 = arith.ori %and3A_77, %or3A_79 : vector<16xi32>
      %bitcast_convert_type3A_81 = tpu.bitcast %or3A_80 : vector<16xi32> -> vector<16xf32>
      %gt3A_82 = arith.constant 1.41421354 : f32
      %gt3A_83 = vector.broadcast %gt3A_82 : f32 to vector<16xf32>
      %gt3A_84 = arith.cmpf ogt, %bitcast_convert_type3A_81, %gt3A_83 : vector<16xf32>
      %mul3A_85 = arith.constant 5.000000e-01 : f32
      %mul3A_86 = vector.broadcast %mul3A_85 : f32 to vector<16xf32>
      %mul3A_87 = arith.mulf %bitcast_convert_type3A_81, %mul3A_86 : vector<16xf32>
      %select_n3A_88 = arith.select %gt3A_84, %mul3A_87, %bitcast_convert_type3A_81 : vector<16xi1>, vector<16xf32>
      %jit3A_89 = arith.constant 1 : i32
      %jit3A_90 = arith.constant 0 : i32
      %broadcast_in_dim3A_91 = vector.broadcast %jit3A_89 : i32 to vector<16xi32>
      %broadcast_in_dim3A_92 = vector.broadcast %jit3A_90 : i32 to vector<16xi32>
      %select_n3A_93 = arith.select %gt3A_84, %broadcast_in_dim3A_91, %broadcast_in_dim3A_92 : vector<16xi1>, vector<16xi32>
      %add3A_94 = arith.addi %sub3A_74, %select_n3A_93 : vector<16xi32>
      %convert_element_type3A_95 = arith.sitofp %add3A_94 : vector<16xi32> to vector<16xf32>
      %sub3A_96 = arith.constant 1.000000e+00 : f32
      %sub3A_97 = vector.broadcast %sub3A_96 : f32 to vector<16xf32>
      %sub3A_98 = arith.subf %select_n3A_88, %sub3A_97 : vector<16xf32>
      %mul3A_99 = arith.constant -0.219451413 : f32
      %mul3A_100 = vector.broadcast %mul3A_99 : f32 to vector<16xf32>
      %mul3A_101 = arith.mulf %mul3A_100, %sub3A_98 : vector<16xf32>
      %add3A_102 = arith.constant 0.354997844 : f32
      %add3A_103 = vector.broadcast %add3A_102 : f32 to vector<16xf32>
      %add3A_104 = arith.addf %mul3A_101, %add3A_103 : vector<16xf32>
      %mul3A_105 = arith.mulf %add3A_104, %sub3A_98 : vector<16xf32>
      %add3A_106 = arith.constant -0.503260076 : f32
      %add3A_107 = vector.broadcast %add3A_106 : f32 to vector<16xf32>
      %add3A_108 = arith.addf %mul3A_105, %add3A_107 : vector<16xf32>
      %mul3A_109 = arith.mulf %add3A_108, %sub3A_98 : vector<16xf32>
      %add3A_110 = arith.constant 0.999525964 : f32
      %add3A_111 = vector.broadcast %add3A_110 : f32 to vector<16xf32>
      %add3A_112 = arith.addf %mul3A_109, %add3A_111 : vector<16xf32>
      %mul3A_113 = arith.mulf %add3A_112, %sub3A_98 : vector<16xf32>
      %add3A_114 = arith.constant 2.9963523E-5 : f32
      %add3A_115 = vector.broadcast %add3A_114 : f32 to vector<16xf32>
      %add3A_116 = arith.addf %mul3A_113, %add3A_115 : vector<16xf32>
      %mul3A_117 = arith.constant 0.693147182 : f32
      %mul3A_118 = vector.broadcast %mul3A_117 : f32 to vector<16xf32>
      %mul3A_119 = arith.mulf %convert_element_type3A_95, %mul3A_118 : vector<16xf32>
      %add3A_120 = arith.addf %mul3A_119, %add3A_116 : vector<16xf32>
      %swap3A_121 = arith.index_cast %mul3A_64 : i32 to index
      %swap3A_122 = tpu.vector_load %arg6[%swap3A_121] {strides = array<i32>} : memref<512xf32, #tpu.memory_space<vmem>>, vector<16xf32>,
      %swap3A_123 = vector.shape_cast %swap3A_122 : vector<16xf32> to vector<16xf32>
      %swap3A_124 = vector.shape_cast %add3A_120 : vector<16xf32> to vector<16xf32>
      tpu.vector_store %arg6[%swap3A_121], %swap3A_124 {strides = array<i32>} : memref<512xf32, #tpu.memory_space<vmem>>, vector<16xf32>,
      %scan3A_125 = arith.constant 2 : i32
      %scan3A_126 = arith.addi %scan3A_10, %scan3A_125 : i32
      %mul3A_127 = arith.constant 16 : i32
      %mul3A_128 = arith.muli %scan3A_126, %mul3A_127 : i32
      %get3A_129 = arith.index_cast %mul3A_128 : i32 to index
      %get3A_130 = tpu.vector_load %arg6[%get3A_129] {strides = array<i32>} : memref<512xf32, #tpu.memory_space<vmem>>, vector<16xf32>,
      %get3A_131 = vector.shape_cast %get3A_130 : vector<16xf32> to vector<16xf32>
      %bitcast_convert_type3A_132 = tpu.bitcast %get3A_131 : vector<16xf32> -> vector<16xi32>
      %shift_right_arithmetic3A_133 = arith.constant 23 : i32
      %shift_right_arithmetic3A_134 = vector.broadcast %shift_right_arithmetic3A_133 : i32 to vector<16xi32>
      %shift_right_arithmetic3A_135 = arith.shrsi %bitcast_convert_type3A_132, %shift_right_arithmetic3A_134 : vector<16xi32>
      %sub3A_136 = arith.constant 127 : i32
      %sub3A_137 = vector.broadcast %sub3A_136 : i32 to vector<16xi32>
      %sub3A_138 = arith.subi %shift_right_arithmetic3A_135, %sub3A_137 : vector<16xi32>
      %and3A_139 = arith.constant 8388607 : i32
      %and3A_140 = vector.broadcast %and3A_139 : i32 to vector<16xi32>
      %and3A_141 = arith.andi %bitcast_convert_type3A_132, %and3A_140 : vector<16xi32>
      %or3A_142 = arith.constant 1065353216 : i32
      %or3A_143 = vector.broadcast %or3A_142 : i32 to vector<16xi32>
      %or3A_144 = arith.ori %and3A_141, %or3A_143 : vector<16xi32>
      %bitcast_convert_type3A_145 = tpu.bitcast %or3A_144 : vector<16xi32> -> vector<16xf32>
      %gt3A_146 = arith.constant 1.41421354 : f32
      %gt3A_147 = vector.broadcast %gt3A_146 : f32 to vector<16xf32>
      %gt3A_148 = arith.cmpf ogt, %bitcast_convert_type3A_145, %gt3A_147 : vector<16xf32>
      %mul3A_149 = arith.constant 5.000000e-01 : f32
      %mul3A_150 = vector.broadcast %mul3A_149 : f32 to vector<16xf32>
      %mul3A_151 = arith.mulf %bitcast_convert_type3A_145, %mul3A_150 : vector<16xf32>
      %select_n3A_152 = arith.select %gt3A_148, %mul3A_151, %bitcast_convert_type3A_145 : vector<16xi1>, vector<16xf32>
      %jit3A_153 = arith.constant 1 : i32
      %jit3A_154 = arith.constant 0 : i32
      %broadcast_in_dim3A_155 = vector.broadcast %jit3A_153 : i32 to vector<16xi32>
      %broadcast_in_dim3A_156 = vector.broadcast %jit3A_154 : i32 to vector<16xi32>
      %select_n3A_157 = arith.select %gt3A_148, %broadcast_in_dim3A_155, %broadcast_in_dim3A_156 : vector<16xi1>, vector<16xi32>
      %add3A_158 = arith.addi %sub3A_138, %select_n3A_157 : vector<16xi32>
      %convert_element_type3A_159 = arith.sitofp %add3A_158 : vector<16xi32> to vector<16xf32>
      %sub3A_160 = arith.constant 1.000000e+00 : f32
      %sub3A_161 = vector.broadcast %sub3A_160 : f32 to vector<16xf32>
      %sub3A_162 = arith.subf %select_n3A_152, %sub3A_161 : vector<16xf32>
      %mul3A_163 = arith.constant -0.219451413 : f32
      %mul3A_164 = vector.broadcast %mul3A_163 : f32 to vector<16xf32>
      %mul3A_165 = arith.mulf %mul3A_164, %sub3A_162 : vector<16xf32>
      %add3A_166 = arith.constant 0.354997844 : f32
      %add3A_167 = vector.broadcast %add3A_166 : f32 to vector<16xf32>
      %add3A_168 = arith.addf %mul3A_165, %add3A_167 : vector<16xf32>
      %mul3A_169 = arith.mulf %add3A_168, %sub3A_162 : vector<16xf32>
      %add3A_170 = arith.constant -0.503260076 : f32
      %add3A_171 = vector.broadcast %add3A_170 : f32 to vector<16xf32>
      %add3A_172 = arith.addf %mul3A_169, %add3A_171 : vector<16xf32>
      %mul3A_173 = arith.mulf %add3A_172, %sub3A_162 : vector<16xf32>
      %add3A_174 = arith.constant 0.999525964 : f32
      %add3A_175 = vector.broadcast %add3A_174 : f32 to vector<16xf32>
      %add3A_176 = arith.addf %mul3A_173, %add3A_175 : vector<16xf32>
      %mul3A_177 = arith.mulf %add3A_176, %sub3A_162 : vector<16xf32>
      %add3A_178 = arith.constant 2.9963523E-5 : f32
      %add3A_179 = vector.broadcast %add3A_178 : f32 to vector<16xf32>
      %add3A_180 = arith.addf %mul3A_177, %add3A_179 : vector<16xf32>
      %mul3A_181 = arith.constant 0.693147182 : f32
      %mul3A_182 = vector.broadcast %mul3A_181 : f32 to vector<16xf32>
      %mul3A_183 = arith.mulf %convert_element_type3A_159, %mul3A_182 : vector<16xf32>
      %add3A_184 = arith.addf %mul3A_183, %add3A_180 : vector<16xf32>
      %swap3A_185 = arith.index_cast %mul3A_128 : i32 to index
      %swap3A_186 = tpu.vector_load %arg6[%swap3A_185] {strides = array<i32>} : memref<512xf32, #tpu.memory_space<vmem>>, vector<16xf32>,
      %swap3A_187 = vector.shape_cast %swap3A_186 : vector<16xf32> to vector<16xf32>
      %swap3A_188 = vector.shape_cast %add3A_184 : vector<16xf32> to vector<16xf32>
      tpu.vector_store %arg6[%swap3A_185], %swap3A_188 {strides = array<i32>} : memref<512xf32, #tpu.memory_space<vmem>>, vector<16xf32>,
      %scan3A_189 = arith.constant 3 : i32
      %scan3A_190 = arith.addi %scan3A_10, %scan3A_189 : i32
      %mul3A_191 = arith.constant 16 : i32
      %mul3A_192 = arith.muli %scan3A_190, %mul3A_191 : i32
      %get3A_193 = arith.index_cast %mul3A_192 : i32 to index
      %get3A_194 = tpu.vector_load %arg6[%get3A_193] {strides = array<i32>} : memref<512xf32, #tpu.memory_space<vmem>>, vector<16xf32>,
      %get3A_195 = vector.shape_cast %get3A_194 : vector<16xf32> to vector<16xf32>
      %bitcast_convert_type3A_196 = tpu.bitcast %get3A_195 : vector<16xf32> -> vector<16xi32>
      %shift_right_arithmetic3A_197 = arith.constant 23 : i32
      %shift_right_arithmetic3A_198 = vector.broadcast %shift_right_arithmetic3A_197 : i32 to vector<16xi32>
      %shift_right_arithmetic3A_199 = arith.shrsi %bitcast_convert_type3A_196, %shift_right_arithmetic3A_198 : vector<16xi32>
      %sub3A_200 = arith.constant 127 : i32
      %sub3A_201 = vector.broadcast %sub3A_200 : i32 to vector<16xi32>
      %sub3A_202 = arith.subi %shift_right_arithmetic3A_199, %sub3A_201 : vector<16xi32>
      %and3A_203 = arith.constant 8388607 : i32
      %and3A_204 = vector.broadcast %and3A_203 : i32 to vector<16xi32>
      %and3A_205 = arith.andi %bitcast_convert_type3A_196, %and3A_204 : vector<16xi32>
      %or3A_206 = arith.constant 1065353216 : i32
      %or3A_207 = vector.broadcast %or3A_206 : i32 to vector<16xi32>
      %or3A_208 = arith.ori %and3A_205, %or3A_207 : vector<16xi32>
      %bitcast_convert_type3A_209 = tpu.bitcast %or3A_208 : vector<16xi32> -> vector<16xf32>
      %gt3A_210 = arith.constant 1.41421354 : f32
      %gt3A_211 = vector.broadcast %gt3A_210 : f32 to vector<16xf32>
      %gt3A_212 = arith.cmpf ogt, %bitcast_convert_type3A_209, %gt3A_211 : vector<16xf32>
      %mul3A_213 = arith.constant 5.000000e-01 : f32
      %mul3A_214 = vector.broadcast %mul3A_213 : f32 to vector<16xf32>
      %mul3A_215 = arith.mulf %bitcast_convert_type3A_209, %mul3A_214 : vector<16xf32>
      %select_n3A_216 = arith.select %gt3A_212, %mul3A_215, %bitcast_convert_type3A_209 : vector<16xi1>, vector<16xf32>
      %jit3A_217 = arith.constant 1 : i32
      %jit3A_218 = arith.constant 0 : i32
      %broadcast_in_dim3A_219 = vector.broadcast %jit3A_217 : i32 to vector<16xi32>
      %broadcast_in_dim3A_220 = vector.broadcast %jit3A_218 : i32 to vector<16xi32>
      %select_n3A_221 = arith.select %gt3A_212, %broadcast_in_dim3A_219, %broadcast_in_dim3A_220 : vector<16xi1>, vector<16xi32>
      %add3A_222 = arith.addi %sub3A_202, %select_n3A_221 : vector<16xi32>
      %convert_element_type3A_223 = arith.sitofp %add3A_222 : vector<16xi32> to vector<16xf32>
      %sub3A_224 = arith.constant 1.000000e+00 : f32
      %sub3A_225 = vector.broadcast %sub3A_224 : f32 to vector<16xf32>
      %sub3A_226 = arith.subf %select_n3A_216, %sub3A_225 : vector<16xf32>
      %mul3A_227 = arith.constant -0.219451413 : f32
      %mul3A_228 = vector.broadcast %mul3A_227 : f32 to vector<16xf32>
      %mul3A_229 = arith.mulf %mul3A_228, %sub3A_226 : vector<16xf32>
      %add3A_230 = arith.constant 0.354997844 : f32
      %add3A_231 = vector.broadcast %add3A_230 : f32 to vector<16xf32>
      %add3A_232 = arith.addf %mul3A_229, %add3A_231 : vector<16xf32>
      %mul3A_233 = arith.mulf %add3A_232, %sub3A_226 : vector<16xf32>
      %add3A_234 = arith.constant -0.503260076 : f32
      %add3A_235 = vector.broadcast %add3A_234 : f32 to vector<16xf32>
      %add3A_236 = arith.addf %mul3A_233, %add3A_235 : vector<16xf32>
      %mul3A_237 = arith.mulf %add3A_236, %sub3A_226 : vector<16xf32>
      %add3A_238 = arith.constant 0.999525964 : f32
      %add3A_239 = vector.broadcast %add3A_238 : f32 to vector<16xf32>
      %add3A_240 = arith.addf %mul3A_237, %add3A_239 : vector<16xf32>
      %mul3A_241 = arith.mulf %add3A_240, %sub3A_226 : vector<16xf32>
      %add3A_242 = arith.constant 2.9963523E-5 : f32
      %add3A_243 = vector.broadcast %add3A_242 : f32 to vector<16xf32>
      %add3A_244 = arith.addf %mul3A_241, %add3A_243 : vector<16xf32>
      %mul3A_245 = arith.constant 0.693147182 : f32
      %mul3A_246 = vector.broadcast %mul3A_245 : f32 to vector<16xf32>
      %mul3A_247 = arith.mulf %convert_element_type3A_223, %mul3A_246 : vector<16xf32>
      %add3A_248 = arith.addf %mul3A_247, %add3A_244 : vector<16xf32>
      %swap3A_249 = arith.index_cast %mul3A_192 : i32 to index
      %swap3A_250 = tpu.vector_load %arg6[%swap3A_249] {strides = array<i32>} : memref<512xf32, #tpu.memory_space<vmem>>, vector<16xf32>,
      %swap3A_251 = vector.shape_cast %swap3A_250 : vector<16xf32> to vector<16xf32>
      %swap3A_252 = vector.shape_cast %add3A_248 : vector<16xf32> to vector<16xf32>
      tpu.vector_store %arg6[%swap3A_249], %swap3A_252 {strides = array<i32>} : memref<512xf32, #tpu.memory_space<vmem>>, vector<16xf32>,
    }
    %scan3A_9 = arith.constant 32 : i32
    "tpu.region"() ({
      %run_scoped3A = tpu.sem_alloc : memref<!tpu.dma_semaphore, #tpu.memory_space<semaphore_mem>>
      %dma_start3A_10 = tpu.memref_slice %arg4[%mul3A_2] : memref<16384xf32, #tpu.memory_space<hbm>> -> memref<512xf32, #tpu.memory_space<hbm>>
      %dma_start3A_11 = tpu.memref_slice %arg4[%mul3A_2] : memref<16384xf32, #tpu.memory_space<hbm>> -> memref<512xf32, #tpu.memory_space<hbm>>
      tpu.enqueue_dma source(%arg6 : memref<512xf32, #tpu.memory_space<vmem>>) target(%dma_start3A_11 : memref<512xf32, #tpu.memory_space<hbm>>) target_semaphore(%run_scoped3A : memref<!tpu.dma_semaphore, #tpu.memory_space<semaphore_mem>>)
      %dma_wait3A_12 = tpu.memref_slice %arg4[%mul3A_2] : memref<16384xf32, #tpu.memory_space<hbm>> -> memref<512xf32, #tpu.memory_space<hbm>>
      %dma_wait3A_13 = tpu.memref_slice %arg4[%mul3A_2] : memref<16384xf32, #tpu.memory_space<hbm>> -> memref<512xf32, #tpu.memory_space<hbm>>
      tpu.wait_dma2 semaphore(%run_scoped3A : memref<!tpu.dma_semaphore, #tpu.memory_space<semaphore_mem>>) src(%arg6 : memref<512xf32, #tpu.memory_space<vmem>>) dst(%dma_wait3A_13 : memref<512xf32, #tpu.memory_space<hbm>>)
      tpu.yield
    }) : () -> ()
    return
  }
}

</mosaic_0001>

<sc_bundles>
// kernel: kernel.3.cloned.1.call-start
scs
__scs_entry_jumppad:
0x0: {  	(pc) =	sbr.rel $0x88, $3  }
0x1: {  	(tag) =	ssettag $0x0;
	lr =	simm.s32 $0x1  }
0x2: {  	[smem:$0x3F9F] =	sst lr;
	_ =	strace $0xD0000000  }
0x3: {  	_ = 	snop  }
0x4: {  	_ = 	snop  }
0x5: {  	_ = 	snop  }
0x6: {  	_ = 	snop  }
0x7: {  	_ = 	snop  }
__scs_overlays_trampoline_lowered:
0x8: {  	[smem:$0x3FAE] =	sst s0  }
0x9: {  	[smem:$0x3FAF] =	sst s1  }
0xa: {  	[smem:$0x3FB0] =	sst s2  }
0xb: {  	[smem:$0x3FB1] =	sst s3  }
0xc: {  	[smem:$0x3FB2] =	sst s4  }
0xd: {  	[smem:$0x3FB3] =	sst s5  }
0xe: {  	[smem:$0x3FB4] =	sst s6  }
0xf: {  	[smem:$0x3FB5] =	sst s7  }
0x10: {  	[smem:$0x3FB6] =	sst s8  }
0x11: {  	[smem:$0x3FB7] =	sst s9;
	s0 =	simm.s32 @!p0 $0x0  }
0x12: {  	s1 =	sld [smem:$0x3F9D];
	s0 =	simm.s32 @p0 $0x1  }
0x13: {  	[smem:$0x3FB8] =	sst s0;
	s0 =	simm.s32 @!p1 $0x0  }
0x14: {  	s2 =	sld [smem:$0x3F9C];
	s0 =	simm.s32 @p1 $0x1  }
0x15: {  	[smem:$0x3FB9] =	sst s0;
	s0 =	simm.s32 @!p2 $0x0  }
0x16: {  	s3 =	sld [smem:$0x3FDB];
	s0 =	simm.s32 @p2 $0x1  }
0x17: {  	s4 =	simm.s32 $0x1BF5;
	[smem:$0x3FBB] =	sst s0  }
0x18: {  	s0 =	sld [smem:$0x3F9E];
	_ =	swait.ge [sflag:s4], $0x0  }
0x19: {  	s7 =	sld [smem:$0x3F9F]  }
0x1a: {  	s8 =	sadd.s32 $0xFFFFE003, lr  }
0x1b: {  	s9 =	sadd.s32 $0xFFFFFEF7, lr;
	s5 =	simm.s32 $0xFFFFFFFF;
	p2 =	slt.u32 s8, $0xFFFFF086  }
0x1c: {  	p1 =	slt.u32 s9, $0xF7A;
	s5 =	simm.s32 @!p2 $0x0  }
0x1d: {  	s5 =	simm.s32 @p1 $0x1;
	p0 =	seq.s32 s7, s2  }
0x1e: {  	s7 =	smul.u32 @!p0 $0xF7A, s2;
	p2 =	seq.s32 @!p0 s5, $0x0  }
0x1f: {  	s9 =	smul.u32 $0xF7A, s1;
	s8 =	simm.s32 @!p0 $0x1BF5;
	p2 =	por !p2, p0  }
0x20: {  	[sflag:s8] =	ssyncset.s32 @!p0 $0xFFFFF086;
	s6 =	sadd.s32 @!p0 s3, s7;
	s7 =	simm.s32 @!p0 $0x108  }
0x21: {  	s3 =	sadd.s32 s3, s9;
	s6 =	sadd.s32 @!p0 $0x88, s6;
	s7 =	simm.s32 @p2 $0x1082  }
0x22: {  	[simem:s7], [sflag:s8] =	dma.local @!p0 [hbm:s6], $0xF7A  }
0x23: {  	s9 =	sor.u32 $0xD0000000, s2;
	s6 =	simm.s32 $0x108;
	_ =	swait.ge @!p0 [sflag:s8], $0x0  }
0x24: {  	s3 =	sadd.s32 $0x88, s3;
	s6 =	simm.s32 @!p1 $0x1082;
	[sflag:s4] =	ssyncset.s32 $0xFFFFF086  }
0x25: {  	[simem:s6], [sflag:s4] =	dma.local [hbm:s3], $0xF7A  }
0x26: {  	[smem:$0x3F9F] =	sst s1;
	(tag) =	ssettag s2;
	_ =	strace s9  }
0x27: {  	s1 =	sld [smem:$0x3FAF]  }
0x28: {  	s2 =	sld [smem:$0x3FB0]  }
0x29: {  	s4 =	sld [smem:$0x3FB2]  }
0x2a: {  	p0 =	seq.s32 s5, $0x0;
	s5 =	sld [smem:$0x3FB3]  }
0x2b: {  	s6 =	sld [smem:$0x3FB4]  }
0x2c: {  	s7 =	sld [smem:$0x3FB5]  }
0x2d: {  	s3 =	simm.s32 $0x108;
	s8 =	sld [smem:$0x3FB6]  }
0x2e: {  	s3 =	simm.s32 @!p0 $0x1082;
	s9 =	sld [smem:$0x3FB7]  }
0x2f: {  	lr =	sadd.s32 s0, s3;
	s0 =	sld [smem:$0x3FAE]  }
0x30: {  	s3 =	sld [smem:$0x3FB1]  }
0x31: {  	[smem:$0x3FBA] =	sst s10  }
0x32: {  	s10 =	sld [smem:$0x3FB8];
	_ =	sdelay $0x3  }
0x33: {  	p0 =	seq.s32 s10, $0x1;
	s10 =	sld [smem:$0x3FBA];
	_ =	sdelay $0x3  }
0x34: {  	[smem:$0x3FBA] =	sst s10  }
0x35: {  	s10 =	sld [smem:$0x3FB9];
	_ =	sdelay $0x3  }
0x36: {  	p1 =	seq.s32 s10, $0x1;
	s10 =	sld [smem:$0x3FBA];
	_ =	sdelay $0x3  }
0x37: {  	[smem:$0x3FBA] =	sst s10  }
0x38: {  	s10 =	sld [smem:$0x3FBB]  }
0x39: {  	_ = 	snop;
	(pc) =	sbr.ind lr, $3  }
0x3a: {  	_ = 	snop  }
0x3b: {  	_ = 	snop  }
0x3c: {  	p2 =	seq.s32 s10, $0x1;
	s10 =	sld [smem:$0x3FBA]  }
0x3d: {  	_ =	shalt  }
0x3e: {  	_ =	shalt  }
0x3f: {  	_ =	shalt  }
0x40: {  	_ =	shalt  }
0x41: {  	_ =	shalt  }
0x42: {  	_ =	shalt  }
0x43: {  	_ =	shalt  }
0x44: {  	_ =	shalt  }
0x45: {  	_ =	shalt  }
0x46: {  	_ =	shalt  }
0x47: {  	_ =	shalt  }
0x48: {  	_ =	shalt  }
0x49: {  	_ =	shalt  }
0x4a: {  	_ =	shalt  }
0x4b: {  	_ =	shalt  }
0x4c: {  	_ =	shalt  }
0x4d: {  	_ =	shalt  }
0x4e: {  	_ =	shalt  }
0x4f: {  	_ =	shalt  }
0x50: {  	_ =	shalt  }
0x51: {  	_ =	shalt  }
0x52: {  	_ =	shalt  }
0x53: {  	_ =	shalt  }
0x54: {  	_ =	shalt  }
0x55: {  	_ =	shalt  }
0x56: {  	_ =	shalt  }
0x57: {  	_ =	shalt  }
0x58: {  	_ =	shalt  }
0x59: {  	_ =	shalt  }
0x5a: {  	_ =	shalt  }
0x5b: {  	_ =	shalt  }
0x5c: {  	_ =	shalt  }
0x5d: {  	_ =	shalt  }
0x5e: {  	_ =	shalt  }
0x5f: {  	_ =	shalt  }
0x60: {  	_ =	shalt  }
0x61: {  	_ =	shalt  }
0x62: {  	_ =	shalt  }
0x63: {  	_ =	shalt  }
0x64: {  	_ =	shalt  }
0x65: {  	_ =	shalt  }
0x66: {  	_ =	shalt  }
0x67: {  	_ =	shalt  }
0x68: {  	_ =	shalt  }
0x69: {  	_ =	shalt  }
0x6a: {  	_ =	shalt  }
0x6b: {  	_ =	shalt  }
0x6c: {  	_ =	shalt  }
0x6d: {  	_ =	shalt  }
0x6e: {  	_ =	shalt  }
0x6f: {  	_ =	shalt  }
0x70: {  	_ =	shalt  }
0x71: {  	_ =	shalt  }
0x72: {  	_ =	shalt  }
0x73: {  	_ =	shalt  }
0x74: {  	_ =	shalt  }
0x75: {  	_ =	shalt  }
0x76: {  	_ =	shalt  }
0x77: {  	_ =	shalt  }
0x78: {  	_ =	shalt  }
0x79: {  	_ =	shalt  }
0x7a: {  	_ =	shalt  }
0x7b: {  	_ =	shalt  }
0x7c: {  	_ =	shalt  }
0x7d: {  	_ =	shalt  }
0x7e: {  	_ =	shalt  }
0x7f: {  	_ =	shalt  }
0x80: {  	_ =	shalt  }
0x81: {  	_ =	shalt  }
0x82: {  	_ =	shalt  }
0x83: {  	_ =	shalt  }
0x84: {  	_ =	shalt  }
0x85: {  	_ =	shalt  }
0x86: {  	_ =	shalt  }
0x87: {  	_ =	shalt  }
.Lfunc_end0:
.L_simem_size_0:
called_computation_lowered:
.L_overlay_start_0:
0x88: {  	s2 =	sld [smem:$0x3FD9]  }
0x89: {  	s3 =	sld [smem:$0x3FFE];
	_ =	sdelay $0x1  }
0x8a: {  	s1 =	srdreg.scid  }
0x8b: {  	s0 =	sand.u32 $0x1, s1  }
0x8c: {  	s18 =	sshll.u32 s0, $0xA;
	s2 =	sadd.s32 s3, s2  }
0x8d: {  	s2 =	sadd.s32 s2, s18  }
0x8e: {  	[smem:$0x3FC6] =	sst s2  }
0x8f: {  	_ = 	snop  }
0x90: {  	s2 =	sld [smem:$0x3FC9]  }
0x91: {  	s19 =	sld [smem:$0x3FC8]  }
0x92: {  	s4 =	sld [smem:$0x3FD0];
	(tm) =	ssettm $0x1  }
0x93: {  	s5 =	sld [smem:$0x3FFB];
	_ =	sdelay $0x3  }
0x94: {  	_ =	strace s5  }
0x95: {  	s5 =	sld [smem:$0x3FFC];
	_ =	sdelay $0x3  }
0x96: {  	_ =	strace s5  }
0x97: {  	s5 =	sld [smem:$0x3FFD];
	_ =	sdelay $0x3  }
0x98: {  	_ =	strace s5  }
0x99: {  	_ =	strace $0x8FFFFFFF  }
0x9a: {  	s20 =	sld [smem:$0x3FDB];
	_ =	sdelay $0x1  }
0x9b: {  	s6 =	simm.s32 $_scs_section_size  }
0x9c: {  	s7 =	simm.s32 $_size__tile_overlayer_lowered;
	s8 =	simm.s32 $_tile_overlayer_lowered  }
0x9d: {  	s23 =	simm.s32 $0x1BFF;
	s22 =	sshll.u32 s8, $0x1;
	s5 =	sadd.s32 s6, s20  }
0x9e: {  	s9 =	simm.s32 $0x0;
	s21 =	sshll.u32 s7, $0x1;
	s7 =	sadd.s32 s22, s5  }
0x9f: {  	[timem:s9], [sflag:s23] =	dma.local [hbm:s7], s21  }
0xa0: {  	_ =	swait.ge [sflag:s23], s21  }
0xa1: {  	s6 =	ssub.s32 $0x0, s21;
	[sflag:s23] =	ssyncset.done $0x0  }
0xa2: {  	[sflag:s23] =	ssyncadd.s32 s6;
	_ =	sdelay $0x1  }
0xa3: {  	s24 =	simm.s32 $0x1B8B  }
0xa4: {  	_ =	swait.ge [sflag:s24], $0x1  }
0xa5: {  	[sflag:s24] =	ssyncset.done $0x0  }
0xa6: {  	s25 =	simm.s32 $0x1B8E;
	[sflag:s24] =	ssyncadd.s32 $0xFFFFFFFF  }
0xa7: {  	s26 =	simm.s32 $execute0_lowered;
	[smem:$0x3FD2] =	sst s25  }
0xa8: {  	s6 =	sshll.u32 s26, $0x1;
	_ =	strace $0x80000046;
	[dreg:$0x1] =	wrdreg $0xFFFFFFFF  }
0xa9: {  	s28 =	simm.s32 $_size_execute0_lowered;
	s5 =	sadd.s32 s5, s6;
	[dreg:$0x0] =	wrdreg $0x0  }
0xaa: {  	s6 =	sshll.u32 s28, $0x1;
	[dreg:$0x2] =	wrdreg s5  }
0xab: {  	[dreg:$0x3] =	wrdreg s6  }
0xac: {  	[dreg:$0x4] =	wrdreg $0xC0  }
0xad: {  	_ =	task [dreg:s9], $0x5FFFF  }
0xae: {  	[dreg:$0x1] =	wrdreg $0xFFFFFFFF  }
0xaf: {  	[dreg:$0x0] =	wrdreg $0x60  }
0xb0: {  	[dreg:$0x2] =	wrdreg s2  }
0xb1: {  	[dreg:$0x3] =	wrdreg s19  }
0xb2: {  	[dreg:$0x4] =	wrdreg s4  }
0xb3: {  	[dreg:$0x5] =	wrdreg $0x9  }
0xb4: {  	_ =	task.clear_ibuf [dreg:s9], $0x6FFFF;
	_ =	strace $0x90000046  }
0xb5: {  	s29 =	simm.s32 $0x9;
	_ =	strace $0x80000048  }
0xb6: {  	_ =	swait.ge [sflag:s29], $0x1  }
0xb7: {  	[sflag:s29] =	ssyncadd.s32 $0xFFFFFFFF  }
0xb8: {  	_ =	strace $0x90000048  }
0xb9: {  	_ =	sfence  }
0xba: {  	s30 =	sld [smem:$0x0];
	_ =	sdelay $0x2  }
0xbb: {  	s31 =	sshll.u32 s1, $0xD;
	s1 =	sshrl.u32 s1, $0x2  }
0xbc: {  	s3 =	sand.u32 $0x4000, s31;
	s1 =	sadd.s32 s1, s30  }
0xbd: {  	s0 =	sor.u32 s3, s0;
	s1 =	sshll.u32 s1, $0x11  }
0xbe: {  	s0 =	sor.u32 s1, s0  }
0xbf: {  	s0 =	sadd.s32 $0x8F2B, s0  }
0xc0: {  	[sflag:s0] =	ssyncadd.remote.s32 $0x1  }
0xc1: {  	_ =	sfence.sel $0xFFFF  }
0xc2: {  	[dreg:$0x0] =	wrdreg $0xFFFFFFFF;
	(pc) =	sbr.abs _section_cstart, $3  }
0xc3: {  	[dreg:$0x1] =	wrdreg $0xFFFFFFFF  }
0xc4: {  	_ =	task.clear_ibuf [dreg:s9], $0x2FFFF;
	_ =	strace $0x9FFFFFFF  }
0xc5: {  	(tm) =	ssettm $0x7FFFFFFF  }
tec
execute0_lowered:
.L_overlay_start_1:
0x0: {  	(tag) =	ssettag $0x1  }
0x1: {  	s4 =	rddreg [dreg:$0x0]  }
0x2: {  	s1 =	rddreg [dreg:$0x1]  }
0x3: {  	s5 =	rddreg [dreg:$0x2]  }
0x4: {  	s0 =	rddreg [dreg:$0x3];
	s6 =	srdreg.scid  }
0x5: {  	s3 =	simm.s32 $0x0;
	s2 =	stileid.u32;
	s10 =	simm.s32 $0x0  }
0x6: {  	s6 =	sand.u32 $0x1, s6;
	s8 =	sshll.u32 s2, $0x7;
	[smem:$0x7FF] =	sst s3  }
0x7: {  	s7 =	ssub.s32 $0x2, s6;
	s6 =	sshll.u32 s6, $0x6;
	_ =	strace $0x80000047  }
0x8: {  	s9 =	sshrl.u32 s7, $0x1;
	s6 =	sor.u32 s6, s8;
	s8 =	simm.s32 $0x200  }
0x9: {  	s7 =	ssub.s32 s7, s9;
	s4 =	sadd.s32 s4, s6;
	s5 =	sadd.s32 s5, s6  }
0xa: {  	v0 =	vimm.s32 $0x0;
	s9 =	simm.s32 $0x1;
	s6 =	smax.u32 s7, $0x1;
	s7 =	simm.s32 $0x2  }
.LBB2_1:
0xb: {  	[tilespmem:s3], [sflag:$0x2] =	stream.linear.gather [hbm4b:s4+s3], $0x200, $0x38;
	[tilespmem:$0x400] =	vst v63  }
0xc: {  	_ =	swait.ge [sflag:s7], $0x200  }
0xd: {  	[sflag:s7] =	ssyncset.done $0x0  }
0xe: {  	[sflag:s7] =	ssyncadd.s32 $0xFFFFFE00  }
0xf: {  	[tilespmem:s8], [sflag:$0x1] =	stream.indirect.gather [hbm4b:s1+s8], $0x1, s3, s8, $0xb8;
	[tilespmem:$0x400] =	vst v63  }
0x10: {  	_ =	swait.ge [sflag:s9], $0x200  }
0x11: {  	[sflag:s9] =	ssyncset.done $0x0  }
0x12: {  	s11 =	simm.s32 $0x220;
	[sflag:s9] =	ssyncadd.s32 $0xFFFFFE00  }
0x13: {  	v1 =	vld [tilespmem:s11+$0xFFFFFFF0]  }
0x14: {  	v2 =	vld [tilespmem:s11+$0x10]  }
0x15: {  	v3 =	vld [tilespmem:s11+$0x0];
	_ =	sdelay $0x3  }
0x16: {  	v4 =	vand.u32 $0x7FFFFF, v1  }
0x17: {  	v5 =	vshra.s32 v1, $0x17;
	v1 =	vand.u32 $0x7FFFFF, v2;
	v7 =	vand.u32 $0x7FFFFF, v3  }
0x18: {  	v6 =	vld [tilespmem:s11+$0xFFFFFFE0];
	v3 =	vshra.s32 v3, $0x17;
	v4 =	vor.u32 $0x3F800000, v4;
	v1 =	vor.u32 $0x3F800000, v1  }
0x19: {  	v7 =	vor.u32 $0x3F800000, v7;
	v8 =	vmul.f32 $5.000000000e-01, v1;
	v9 =	vmul.f32 $5.000000000e-01, v4  }
0x1a: {  	v10 =	vmul.f32 $5.000000000e-01, v7;
	vm1 =	vgt.f32 v1, $1.414213540e+00;
	vm2 =	vgt.f32 v7, $1.414213540e+00  }
0x1b: {  	vm0 =	vgt.f32 v4, $1.414213540e+00;
	v1 =	vsel vm1, v8, v1;
	v8 =	vsel vm2, $0x1, v0  }
0x1c: {  	v7 =	vsel vm2, v10, v7;
	v4 =	vsel vm0, v9, v4;
	v10 =	vadd.f32 $-1.000000000e+00, v1  }
0x1d: {  	v1 =	vadd.s32 v8, v3;
	v3 =	vand.u32 $0x7FFFFF, v6;
	v7 =	vadd.f32 $-1.000000000e+00, v7  }
0x1e: {  	v8 =	vshra.s32 v2, $0x17;
	v2 =	vor.u32 $0x3F800000, v3;
	v3 =	vmul.f32 $2.194514130e-01, v10  }
0x1f: {  	v12 =	vadd.s32 $0xFFFFFF81, v1;
	v9 =	vmul.f32 $5.000000000e-01, v2;
	v11 =	vmul.f32 $2.194514130e-01, v7  }
0x20: {  	v1 =	vadd.f32 $-1.000000000e+00, v4;
	vm15 =	vgt.f32 v2, $1.414213540e+00;
	v3 =	vsub.f32 $3.549978440e-01, v3  }
0x21: {  	v60 =	vsel vm1, $0x1, v0;
	v2 =	vsel vm15, v9, v2;
	v4 =	vsub.f32 $3.549978440e-01, v11  }
0x22: {  	v11 =	vmul.f32 $2.194514130e-01, v1;
	v2 =	vadd.f32 $-1.000000000e+00, v2;
	v3 =	vmul.f32 v3, v10  }
0x23: {  	v6 =	vshra.s32 v6, $0x17;
	v59 =	vsel vm15, $0x1, v0;
	v4 =	vmul.f32 v4, v7  }
0x24: {  	v11 =	vsub.f32 $3.549978440e-01, v11;
	v13 =	vmul.f32 $2.194514130e-01, v2;
	v3 =	vadd.f32 $-5.032600760e-01, v3  }
0x25: {  	v8 =	vadd.s32 v60, v8;
	v6 =	vadd.s32 v59, v6;
	v4 =	vadd.f32 $-5.032600760e-01, v4  }
0x26: {  	v11 =	vmul.f32 v11, v1;
	v13 =	vsub.f32 $3.549978440e-01, v13;
	v3 =	vmul.f32 v3, v10  }
0x27: {  	v9 =	vcvt.s32.f32 v12;
	v6 =	vadd.s32 $0xFFFFFF81, v6;
	v4 =	vmul.f32 v4, v7  }
0x28: {  	v11 =	vadd.f32 $-5.032600760e-01, v11;
	v61 =	vmul.f32 v13, v2;
	v62 =	vadd.f32 $9.995259640e-01, v3  }
0x29: {  	v3 =	vcvt.s32.f32 v6;
	v4 =	vadd.f32 $9.995259640e-01, v4;
	v6 =	vadd.s32 $0xFFFFFF81, v8  }
0x2a: {  	v8 =	vadd.f32 $-5.032600760e-01, v61;
	v6 =	vcvt.s32.f32 v6;
	v10 =	vmul.f32 v62, v10  }
0x2b: {  	v63 =	vsel vm0, $0x1, v0;
	v4 =	vmul.f32 v4, v7;
	v7 =	vmul.f32 v11, v1  }
0x2c: {  	v8 =	vmul.f32 v8, v2;
	v6 =	vmul.f32 $6.931471820e-01, v6;
	v10 =	vadd.f32 $2.996352300e-05, v10  }
0x2d: {  	v9 =	vmul.f32 $6.931471820e-01, v9;
	v11 =	vadd.f32 $2.996352300e-05, v4;
	v4 =	vadd.f32 $9.995259640e-01, v7  }
0x2e: {  	v5 =	vadd.s32 v63, v5;
	v8 =	vadd.f32 $9.995259640e-01, v8;
	v6 =	vadd.f32 v10, v6  }
0x2f: {  	s12 =	simm.s32 $0x0;
	s13 =	simm.s32 $0x260;
	v7 =	vadd.s32 $0xFFFFFF81, v5;
	v5 =	vadd.f32 v11, v9  }
.LBB2_2:
0x30: {  	v9 =	vld [tilespmem:s13+$0xFFFFFFF0];
	s12 =	sadd.s32 $0x4, s12;
	v2 =	vmul.f32 v8, v2;
	v1 =	vmul.f32 v4, v1;
	[tilespmem:s11+$0x10] =	vst v6  }
0x31: {  	v3 =	vmul.f32 $6.931471820e-01, v3;
	v6 =	vcvt.s32.f32 v7;
	v4 =	vld [tilespmem:s13+$0x10];
	p0 =	slt.u32 s12, $0x1C;
	[tilespmem:s11+$0x0] =	vst v5  }
0x32: {  	v5 =	vld [tilespmem:s13+$0x0];
	v2 =	vadd.f32 $2.996352300e-05, v2;
	v1 =	vadd.f32 $2.996352300e-05, v1  }
0x33: {  	v6 =	vmul.f32 $6.931471820e-01, v6  }
0x34: {  	v2 =	vadd.f32 v2, v3  }
0x35: {  	v1 =	vadd.f32 v1, v6;
	v3 =	vand.u32 $0x7FFFFF, v9  }
0x36: {  	v6 =	vshra.s32 v9, $0x17;
	v3 =	vor.u32 $0x3F800000, v3;
	v7 =	vand.u32 $0x7FFFFF, v4;
	[tilespmem:s11+$0xFFFFFFE0] =	vst v2  }
0x37: {  	v8 =	vld [tilespmem:s13+$0xFFFFFFE0];
	v2 =	vshra.s32 v5, $0x17;
	v5 =	vand.u32 $0x7FFFFF, v5;
	v7 =	vor.u32 $0x3F800000, v7;
	[tilespmem:s11+$0xFFFFFFF0] =	vst v1;
	s11 =	smov.u32 s13  }
0x38: {  	v1 =	vmul.f32 $5.000000000e-01, v3;
	v5 =	vor.u32 $0x3F800000, v5;
	v9 =	vmul.f32 $5.000000000e-01, v7  }
0x39: {  	vm1 =	vgt.f32 v7, $1.414213540e+00;
	vm2 =	vgt.f32 v5, $1.414213540e+00;
	v10 =	vmul.f32 $5.000000000e-01, v5  }
0x3a: {  	vm0 =	vgt.f32 v3, $1.414213540e+00;
	v11 =	vsel vm2, $0x1, v0;
	v7 =	vsel vm1, v9, v7  }
0x3b: {  	v2 =	vadd.s32 v11, v2;
	v5 =	vsel vm2, v10, v5;
	v7 =	vadd.f32 $-1.000000000e+00, v7  }
0x3c: {  	v4 =	vshra.s32 v4, $0x17;
	v9 =	vand.u32 $0x7FFFFF, v8;
	v5 =	vadd.f32 $-1.000000000e+00, v5  }
0x3d: {  	v1 =	vsel vm0, v1, v3;
	v9 =	vor.u32 $0x3F800000, v9;
	v3 =	vmul.f32 $2.194514130e-01, v7  }
0x3e: {  	v2 =	vadd.s32 $0xFFFFFF81, v2;
	v10 =	vmul.f32 $5.000000000e-01, v9;
	v11 =	vmul.f32 $2.194514130e-01, v5  }
0x3f: {  	v1 =	vadd.f32 $-1.000000000e+00, v1;
	vm2 =	vgt.f32 v9, $1.414213540e+00;
	v3 =	vsub.f32 $3.549978440e-01, v3  }
0x40: {  	v9 =	vsel vm2, v10, v9;
	v10 =	vcvt.s32.f32 v2;
	v11 =	vsub.f32 $3.549978440e-01, v11  }
0x41: {  	v2 =	vadd.f32 $-1.000000000e+00, v9;
	v9 =	vmul.f32 $2.194514130e-01, v1;
	v3 =	vmul.f32 v3, v7  }
0x42: {  	v8 =	vshra.s32 v8, $0x17;
	v12 =	vsel vm2, $0x1, v0;
	v11 =	vmul.f32 v11, v5  }
0x43: {  	v13 =	vmul.f32 $2.194514130e-01, v2;
	v9 =	vsub.f32 $3.549978440e-01, v9;
	v3 =	vadd.f32 $-5.032600760e-01, v3  }
0x44: {  	v8 =	vadd.s32 v12, v8;
	v12 =	vsel vm1, $0x1, v0;
	v11 =	vadd.f32 $-5.032600760e-01, v11  }
0x45: {  	v13 =	vsub.f32 $3.549978440e-01, v13;
	v9 =	vmul.f32 v9, v1;
	v3 =	vmul.f32 v3, v7  }
0x46: {  	v8 =	vadd.s32 $0xFFFFFF81, v8;
	v4 =	vadd.s32 v12, v4;
	v11 =	vmul.f32 v11, v5  }
0x47: {  	v12 =	vmul.f32 v13, v2;
	v9 =	vadd.f32 $-5.032600760e-01, v9;
	v13 =	vadd.f32 $9.995259640e-01, v3  }
0x48: {  	v4 =	vadd.s32 $0xFFFFFF81, v4;
	v3 =	vcvt.s32.f32 v8;
	v8 =	vadd.f32 $9.995259640e-01, v11  }
0x49: {  	v4 =	vcvt.s32.f32 v4;
	v11 =	vadd.f32 $-5.032600760e-01, v12;
	v7 =	vmul.f32 v13, v7  }
.Ltmp0:
0x4a: {  	v12 =	vsel vm0, $0x1, v0;
	v9 =	vmul.f32 v9, v1;
	v5 =	vmul.f32 v8, v5;
	(pc) =	sbr.rel @p0 .LBB2_2-.Ltmp0, $4  }
0x4b: {  	v8 =	vmul.f32 v11, v2;
	v7 =	vadd.f32 $2.996352300e-05, v7;
	v11 =	vmul.f32 $6.931471820e-01, v4  }
0x4c: {  	v4 =	vadd.f32 $9.995259640e-01, v9;
	v9 =	vmul.f32 $6.931471820e-01, v10;
	v5 =	vadd.f32 $2.996352300e-05, v5  }
0x4d: {  	v10 =	vadd.s32 v12, v6;
	v8 =	vadd.f32 $9.995259640e-01, v8;
	v6 =	vadd.f32 v7, v11  }
0x4e: {  	s13 =	sadd.s32 $0x40, s13;
	v7 =	vadd.s32 $0xFFFFFF81, v10;
	v5 =	vadd.f32 v5, v9  }
0x4f: {  	v2 =	vmul.f32 v8, v2  }
0x50: {  	v1 =	vmul.f32 v4, v1;
	v63 =	vcvt.s32.f32 v7  }
0x51: {  	v3 =	vmul.f32 $6.931471820e-01, v3;
	v2 =	vadd.f32 $2.996352300e-05, v2  }
0x52: {  	v1 =	vadd.f32 $2.996352300e-05, v1;
	v4 =	vmul.f32 $6.931471820e-01, v63  }
0x53: {  	[tilespmem:s11+$0x10] =	vst v6;
	v2 =	vadd.f32 v2, v3  }
0x54: {  	s10 =	sadd.s32 $0x1, s10;
	[tilespmem:s11+$0x0] =	vst v5;
	v1 =	vadd.f32 v1, v4  }
0x55: {  	p0 =	sne.s32 s10, s6;
	[tilespmem:s11+$0xFFFFFFE0] =	vst v2  }
.Ltmp1:
0x56: {  	[tilespmem:s11+$0xFFFFFFF0] =	vst v1;
	(pc) =	sbr.rel @p0 .LBB2_1-.Ltmp1, $4  }
0x57: {  	[hbm4b:s5+s3] =	stream.linear.scatter [tilespmem:s8], [sflag:$0x2], $0x200, $0x38;
	[tilespmem:$0x400] =	vst v63  }
0x58: {  	_ =	swait.ge [sflag:s7], $0x200  }
0x59: {  	[sflag:s7] =	ssyncset.done $0x0  }
0x5a: {  	[sflag:s7] =	ssyncadd.s32 $0xFFFFFE00  }
0x5b: {  	_ =	sfence.sel $0x180000  }
0x5c: {  	[bflag:$0x0] =	sbarrier.arrive $0xFFFF  }
0x5d: {  	p0 =	sne.s32 s2, $0x0;
	_ =	strace $0x90000047  }
0x5e: {  	s0 =	sadd.s32 @!p0 $0x100000, s0;
	[bflag:$0x2] =	sbarrier.arrive $0xFFFF  }
0x5f: {  	[sflag:s0] =	ssyncadd.tile.s32 @!p0 $0x1;
	_ =	shalt  }
.Lfunc_end2:
_tile_overlayer_lowered:
.L_overlay_start_2:
0x60: {  	(tag) =	ssettag $0x2  }
0x61: {  	s0 =	rddreg [dreg:$0x0];
	s2 =	stileid.u32  }
0x62: {  	s1 =	rddreg [dreg:$0x1];
	p0 =	sne.s32 s2, $0x0  }
0x63: {  	s3 =	rddreg [dreg:$0x2];
	[bflag:$0x3] =	sbarrier.arrive $0xFFFF;
	s2 =	simm.s32 @!p0 $0x1C02  }
0x64: {  	[timem:s3], [sflag:s2] =	dma.local @!p0 [hbm:s0], s1  }
0x65: {  	s0 =	simm.s32 @!p0 $0x2  }
0x66: {  	_ =	swait.ge @!p0 [sflag:s0], s1  }
0x67: {  	s1 =	ssub.s32 @!p0 $0x0, s1;
	[sflag:s0] =	ssyncset.done @!p0 $0x0  }
0x68: {  	[sflag:s0] =	ssyncadd.s32 @!p0 s1  }
0x69: {  	[bflag:$0x3] =	sbarrier.arrive $0xFFFF  }
0x6a: {  	_ =	shalt  }

</sc_bundles>
